<compile_context>
chip_gen: v7x
topology: tpu7x:2x2x1
jax: 0.10.2.dev20260603
libtpu: 0.0.44.dev20260713+nightly
codegen_flags: <defaults>
</compile_context>

<pallas_src>
import jax
import jax.numpy as jnp
from jax import lax
from jax.experimental import pallas as pl
from jax.experimental.pallas import tpu as pltpu
from jax.experimental.pallas import tpu_sc as plsc

_B, _N, _P, _K = 32, 16384, 30, 17
_L = 16
_ROW = _P * _K * 2


def _body(kp_hbm, tags_hbm, out_hbm, kp_v, tags_v, means_v, tmp_v, tmpf_v,
          out_v, stage_sh, pack_v, outstage_v):
    c = lax.axis_index("c")
    s = lax.axis_index("s")
    b = c * _L + s

    pltpu.sync_copy(kp_hbm.at[b], kp_v)
    pltpu.sync_copy(tags_hbm.at[b], tags_v)

    zero_i = jnp.zeros((_L,), jnp.int32)
    lane = lax.broadcasted_iota(jnp.int32, (_L,), 0)
    p_hi = jnp.minimum(lane + _L, _P - 1)
    hi_valid = (lane + _L) < _P
    base_lo = lane * (_K * 2)
    base_hi = p_hi * (_K * 2)

    def count_step(k, carry):
        n_lo, n_hi, c1_lo, c1_hi = carry
        idx_lo = plsc.load_gather(kp_v, [base_lo + 2 * k])
        idx_hi = plsc.load_gather(kp_v, [base_hi + 2 * k])
        bit_lo = plsc.load_gather(kp_v, [base_lo + (2 * k + 1)])
        bit_hi = plsc.load_gather(kp_v, [base_hi + (2 * k + 1)])
        return (n_lo + bit_lo, n_hi + bit_hi,
                c1_lo + bit_lo * idx_lo, c1_hi + bit_hi * idx_hi)

    n_lo, n_hi, c1_lo, c1_hi = lax.fori_loop(
        0, _K, count_step, (zero_i, zero_i, zero_i, zero_i))
    n_hi = jnp.where(hi_valid, n_hi, 0)
    c1_hi = jnp.where(hi_valid, c1_hi, 0)

    means_v[pl.ds(8, _L)] = tags_v[pl.ds(0, _L)]
    t0 = plsc.load_gather(means_v, [jnp.full((_L,), 8, jnp.int32)])
    t1 = plsc.load_gather(means_v, [jnp.full((_L,), 9, jnp.int32)])

    def person_stats(n, c1):
        nf = n.astype(jnp.float32)
        c1f = c1.astype(jnp.float32)
        c0f = nf - c1f
        nf_safe = jnp.maximum(nf, 1.0)
        mean = jnp.where(n > 0, (c0f * t0 + c1f * t1) / nf_safe, 0.0)
        sq = c0f * (t0 - mean) * (t0 - mean) + c1f * (t1 - mean) * (t1 - mean)
        pp = jnp.where(n > 0, sq / nf_safe, 0.0)
        return mean, pp

    mean_lo, pp_lo = person_stats(n_lo, c1_lo)
    mean_hi, pp_hi = person_stats(n_hi, c1_hi)

    def bsum(vec, ref):
        ref[...] = plsc.cumsum(vec)
        return plsc.load_gather(ref, [jnp.full((_L,), _L - 1, jnp.int32)])

    cur_v = bsum(jnp.where(n_lo > 0, 1, 0) + jnp.where(n_hi > 0, 1, 0), tmp_v)
    push_num = bsum(pp_lo + pp_hi, tmpf_v)

    means_v[pl.ds(0, _L)] = mean_lo
    means_v[pl.ds(_L, _L)] = mean_hi

    jcur_lo = (lane < cur_v).astype(jnp.float32)
    jcur_hi = ((lane + _L) < cur_v).astype(jnp.float32)
    lane_hi = lane + _L

    def pull_step(i, carry):
        acc_lo, acc_hi = carry
        mi = plsc.load_gather(means_v, [jnp.full((_L,), i, jnp.int32)])
        d_lo = mi - mean_lo
        d_hi = mi - mean_hi
        e_lo = jnp.exp(-(d_lo * d_lo))
        e_hi = jnp.exp(-(d_hi * d_hi))
        igt_lo = (lane > i).astype(jnp.float32)
        igt_hi = (lane_hi > i).astype(jnp.float32)
        return (acc_lo + e_lo * (igt_lo * jcur_lo),
                acc_hi + e_hi * (igt_hi * jcur_hi))

    zero_f = jnp.zeros((_L,), jnp.float32)
    acc_lo, acc_hi = lax.fori_loop(0, _P, pull_step, (zero_f, zero_f))
    pull_num = bsum(acc_lo + acc_hi, tmpf_v)

    curf = cur_v.astype(jnp.float32)
    push = jnp.where(cur_v > 0, push_num / jnp.maximum(curf, 1.0), 0.0)
    denom = curf * (curf - 1.0) * 0.5
    pull = jnp.where(cur_v > 1, pull_num / jnp.maximum(denom, 1.0), pull_num)
    pull = pull * 0.5

    out_v[...] = jnp.where(lane == 0, pull, jnp.where(lane == 1, push, 0.0))

    pltpu.sync_copy(out_v, stage_sh.at[pl.ds(s * _L, _L)])
    plsc.subcore_barrier()

    @pl.when(s == 0)
    def _pack():
        pltpu.sync_copy(stage_sh, pack_v)
        row0 = lane >> 1
        col = lane & 1
        v0 = plsc.load_gather(pack_v, [row0 * _L + col])
        v1 = plsc.load_gather(pack_v, [(row0 + 8) * _L + col])
        outstage_v[pl.ds(0, _L)] = v0
        outstage_v[pl.ds(_L, _L)] = v1
        pltpu.sync_copy(outstage_v, out_hbm.at[pl.ds(c * (2 * _L), 2 * _L)])


@jax.jit
def _aeloss_sc(kp2, tags2):
    fn = pl.kernel(
        _body,
        mesh=plsc.VectorSubcoreMesh(core_axis_name="c", subcore_axis_name="s"),
        compiler_params=pltpu.CompilerParams(needs_layout_passes=False),
        out_type=jax.ShapeDtypeStruct((_B * 2,), jnp.float32),
        name="aeloss_sc",
        scratch_types=[
            pltpu.VMEM((_ROW,), jnp.int32),
            pltpu.VMEM((128,), jnp.float32),
            pltpu.VMEM((2 * _L,), jnp.float32),
            pltpu.VMEM((_L,), jnp.int32),
            pltpu.VMEM((_L,), jnp.float32),
            pltpu.VMEM((_L,), jnp.float32),
            pltpu.VMEM_SHARED((_L * _L,), jnp.float32),
            pltpu.VMEM((_L * _L,), jnp.float32),
            pltpu.VMEM((2 * _L,), jnp.float32),
        ],
    )
    return fn(kp2, tags2)


def kernel(tags, keypoints):
    kp2 = keypoints.astype(jnp.int32).reshape(_B, _ROW)
    tags2 = tags[:, :128, 0]
    return _aeloss_sc(kp2, tags2).reshape(_B, 2)

# --- scband reference (transcript-rebuilt; emitter-appended) ---
"""Pipeline reference for scband-aeloss-15375982920220 (READ-ONLY COPY).

The authoritative reference and input builder live on the scoring server;
editing this copy changes nothing except your own understanding.
"""

import jax, jax.numpy as jnp
import numpy as np

B, N, TD, P, K = 32, 16384, 1, 30, 17

def setup_inputs(seed: int = 0) -> dict:
    key = jax.random.key(seed)
    k1, k2 = jax.random.split(key)
    tags = jax.random.normal(k1, (B, N, TD), dtype=jnp.float32)
    keypoints = jax.random.randint(k2, (B, P, K, 2), 0, 2)
    return {"tags": tags, "keypoints": keypoints}


def _aeloss(tags, keypoints):
    Bb, Pp, Kk, _ = keypoints.shape
    mask = (keypoints[..., -1] == 1)
    idx = keypoints[..., 0]
    bidx = jnp.arange(Bb)[:, None, None]
    gathered = tags[bidx, idx, 0]  # [B, P, K], only tag dim 0 is used (matches torch code)
    maskf = mask.astype(tags.dtype)
    n = maskf.sum(-1)  # [B, P] valid keypoints per person
    sum_vt = (gathered * maskf).sum(-1)
    mean = jnp.where(n > 0, sum_vt / jnp.maximum(n, 1.0), 0.0)  # mean_tags[b,p,0]
    sq = ((gathered - mean[..., None]) ** 2) * maskf
    per_person = jnp.where(n > 0, sq.sum(-1) / jnp.maximum(n, 1.0), 0.0)
    valid = n > 0
    cur = valid.sum(-1).astype(tags.dtype)  # cur_people_count per batch
    push = jnp.where(cur > 0, per_person.sum(-1) / jnp.maximum(cur, 1.0), 0.0)
    # pull loss: torch quirk -- iterates over the FIRST cur_people_count slots of mean_tags
    diff = mean[:, :, None] - mean[:, None, :]
    e = jnp.exp(-(diff ** 2))
    i = jnp.arange(Pp)
    pairmask = (i[None, :, None] < i[None, None, :]) & (i[None, None, :].astype(tags.dtype) < cur[:, None, None])
    pull_sum = (e * pairmask.astype(tags.dtype)).sum((-1, -2))
    denom = cur * (cur - 1.0) / 2.0
    pull = jnp.where(cur > 1, pull_sum / jnp.maximum(denom, 1.0), pull_sum)
    pull = 0.5 * pull
    return jnp.stack([pull, push], axis=-1)  # [B, 2]


def reference(tags, keypoints):
    return _aeloss(tags, keypoints)

if __name__ == "__main__":
    import jax
    _d = setup_inputs()
    print(jax.jit(kernel)(*tuple(_d.values())))

</pallas_src>

<mosaic_0001>
#map = affine_map<(d0, d1) -> (0, 0)>
#map1 = affine_map<(d0, d1) -> (0)>
module attributes {stable_mosaic.version = 14 : i64} {
  func.func @aeloss_sc(%arg0: i32, %arg1: i32, %arg2: memref<32x1020xi32, #tpu.memory_space<hbm>>, %arg3: memref<32x128xf32, #tpu.memory_space<hbm>>, %arg4: memref<64xf32, #tpu.memory_space<hbm>>, %arg5: memref<1020xi32, #tpu.memory_space<vmem>>, %arg6: memref<128xf32, #tpu.memory_space<vmem>>, %arg7: memref<32xf32, #tpu.memory_space<vmem>>, %arg8: memref<16xi32, #tpu.memory_space<vmem>>, %arg9: memref<16xf32, #tpu.memory_space<vmem>>, %arg10: memref<16xf32, #tpu.memory_space<vmem>>, %arg11: memref<256xf32, #tpu.memory_space<vmem_shared>>, %arg12: memref<256xf32, #tpu.memory_space<vmem>>, %arg13: memref<32xf32, #tpu.memory_space<vmem>>) attributes {dimension_semantics = [#tpu.dimension_semantics<core_parallel>, #tpu.dimension_semantics<subcore_parallel>], iteration_bounds = array<i64: 2, 16>, scalar_prefetch = 0 : i64, scratch_operands = 9 : i64, tpu.core_type = #tpu.core_type<sc_vector_subcore>, window_params = [{transform_indices = #map}, {transform_indices = #map}, {transform_indices = #map1}]} {
    %mul3A = arith.constant 16 : i32
    %mul3A_0 = arith.muli %arg0, %mul3A : i32
    %add3A = arith.addi %mul3A_0, %arg1 : i32
    "tpu.region"() ({
      %run_scoped3A = tpu.sem_alloc : memref<!tpu.dma_semaphore, #tpu.memory_space<semaphore_mem>>
      %dma_start3A = arith.constant 0 : i32
      %dma_start3A_205 = tpu.memref_slice %arg2[%add3A, %dma_start3A] : memref<32x1020xi32, #tpu.memory_space<hbm>> -> memref<1x1020xi32, #tpu.memory_space<hbm>>
      %dma_start3A_206 = tpu.memref_squeeze %dma_start3A_205 : memref<1x1020xi32, #tpu.memory_space<hbm>> -> memref<1020xi32, #tpu.memory_space<hbm>>
      %dma_start3A_207 = arith.constant 0 : i32
      %dma_start3A_208 = tpu.memref_slice %arg2[%add3A, %dma_start3A_207] : memref<32x1020xi32, #tpu.memory_space<hbm>> -> memref<1x1020xi32, #tpu.memory_space<hbm>>
      %dma_start3A_209 = tpu.memref_squeeze %dma_start3A_208 : memref<1x1020xi32, #tpu.memory_space<hbm>> -> memref<1020xi32, #tpu.memory_space<hbm>>
      tpu.enqueue_dma source(%dma_start3A_209 : memref<1020xi32, #tpu.memory_space<hbm>>) target(%arg5 : memref<1020xi32, #tpu.memory_space<vmem>>) target_semaphore(%run_scoped3A : memref<!tpu.dma_semaphore, #tpu.memory_space<semaphore_mem>>)
      %dma_wait3A = arith.constant 0 : i32
      %dma_wait3A_210 = tpu.memref_slice %arg2[%add3A, %dma_wait3A] : memref<32x1020xi32, #tpu.memory_space<hbm>> -> memref<1x1020xi32, #tpu.memory_space<hbm>>
      %dma_wait3A_211 = tpu.memref_squeeze %dma_wait3A_210 : memref<1x1020xi32, #tpu.memory_space<hbm>> -> memref<1020xi32, #tpu.memory_space<hbm>>
      %dma_wait3A_212 = arith.constant 0 : i32
      %dma_wait3A_213 = tpu.memref_slice %arg2[%add3A, %dma_wait3A_212] : memref<32x1020xi32, #tpu.memory_space<hbm>> -> memref<1x1020xi32, #tpu.memory_space<hbm>>
      %dma_wait3A_214 = tpu.memref_squeeze %dma_wait3A_213 : memref<1x1020xi32, #tpu.memory_space<hbm>> -> memref<1020xi32, #tpu.memory_space<hbm>>
      tpu.wait_dma2 semaphore(%run_scoped3A : memref<!tpu.dma_semaphore, #tpu.memory_space<semaphore_mem>>) src(%dma_wait3A_214 : memref<1020xi32, #tpu.memory_space<hbm>>) dst(%arg5 : memref<1020xi32, #tpu.memory_space<vmem>>)
      tpu.yield
    }) : () -> ()
    "tpu.region"() ({
      %run_scoped3A = tpu.sem_alloc : memref<!tpu.dma_semaphore, #tpu.memory_space<semaphore_mem>>
      %dma_start3A = arith.constant 0 : i32
      %dma_start3A_205 = tpu.memref_slice %arg3[%add3A, %dma_start3A] : memref<32x128xf32, #tpu.memory_space<hbm>> -> memref<1x128xf32, #tpu.memory_space<hbm>>
      %dma_start3A_206 = tpu.memref_squeeze %dma_start3A_205 : memref<1x128xf32, #tpu.memory_space<hbm>> -> memref<128xf32, #tpu.memory_space<hbm>>
      %dma_start3A_207 = arith.constant 0 : i32
      %dma_start3A_208 = tpu.memref_slice %arg3[%add3A, %dma_start3A_207] : memref<32x128xf32, #tpu.memory_space<hbm>> -> memref<1x128xf32, #tpu.memory_space<hbm>>
      %dma_start3A_209 = tpu.memref_squeeze %dma_start3A_208 : memref<1x128xf32, #tpu.memory_space<hbm>> -> memref<128xf32, #tpu.memory_space<hbm>>
      tpu.enqueue_dma source(%dma_start3A_209 : memref<128xf32, #tpu.memory_space<hbm>>) target(%arg6 : memref<128xf32, #tpu.memory_space<vmem>>) target_semaphore(%run_scoped3A : memref<!tpu.dma_semaphore, #tpu.memory_space<semaphore_mem>>)
      %dma_wait3A = arith.constant 0 : i32
      %dma_wait3A_210 = tpu.memref_slice %arg3[%add3A, %dma_wait3A] : memref<32x128xf32, #tpu.memory_space<hbm>> -> memref<1x128xf32, #tpu.memory_space<hbm>>
      %dma_wait3A_211 = tpu.memref_squeeze %dma_wait3A_210 : memref<1x128xf32, #tpu.memory_space<hbm>> -> memref<128xf32, #tpu.memory_space<hbm>>
      %dma_wait3A_212 = arith.constant 0 : i32
      %dma_wait3A_213 = tpu.memref_slice %arg3[%add3A, %dma_wait3A_212] : memref<32x128xf32, #tpu.memory_space<hbm>> -> memref<1x128xf32, #tpu.memory_space<hbm>>
      %dma_wait3A_214 = tpu.memref_squeeze %dma_wait3A_213 : memref<1x128xf32, #tpu.memory_space<hbm>> -> memref<128xf32, #tpu.memory_space<hbm>>
      tpu.wait_dma2 semaphore(%run_scoped3A : memref<!tpu.dma_semaphore, #tpu.memory_space<semaphore_mem>>) src(%dma_wait3A_214 : memref<128xf32, #tpu.memory_space<hbm>>) dst(%arg6 : memref<128xf32, #tpu.memory_space<vmem>>)
      tpu.yield
    }) : () -> ()
    %broadcast_in_dim3A = arith.constant 0 : i32
    %broadcast_in_dim3A_1 = vector.broadcast %broadcast_in_dim3A : i32 to vector<16xi32>
    %iota3A = tpu.iota {dimensions = array<i32: 0>} : vector<16xi32>
    %add3A_2 = arith.constant 16 : i32
    %add3A_3 = vector.broadcast %add3A_2 : i32 to vector<16xi32>
    %add3A_4 = arith.addi %iota3A, %add3A_3 : vector<16xi32>
    %min3A = arith.constant 29 : i32
    %min3A_5 = vector.broadcast %min3A : i32 to vector<16xi32>
    %min3A_6 = arith.minsi %add3A_4, %min3A_5 : vector<16xi32>
    %add3A_7 = arith.constant 16 : i32
    %add3A_8 = vector.broadcast %add3A_7 : i32 to vector<16xi32>
    %add3A_9 = arith.addi %iota3A, %add3A_8 : vector<16xi32>
    %lt3A = arith.constant 30 : i32
    %lt3A_10 = vector.broadcast %lt3A : i32 to vector<16xi32>
    %lt3A_11 = arith.cmpi slt, %add3A_9, %lt3A_10 : vector<16xi32>
    %mul3A_12 = arith.constant 34 : i32
    %mul3A_13 = vector.broadcast %mul3A_12 : i32 to vector<16xi32>
    %mul3A_14 = arith.muli %iota3A, %mul3A_13 : vector<16xi32>
    %mul3A_15 = arith.constant 34 : i32
    %mul3A_16 = vector.broadcast %mul3A_15 : i32 to vector<16xi32>
    %mul3A_17 = arith.muli %min3A_6, %mul3A_16 : vector<16xi32>
    %scan3A = arith.constant 0 : i32
    %scan3A_18 = arith.constant 17 : i32
    %scan3A_19 = arith.addi %scan3A, %scan3A_18 : i32
    %scan3A_20 = arith.constant 1 : i32
    %scan3A_21:4 = scf.for %scan3A_205 = %scan3A to %scan3A_19 step %scan3A_20 iter_args(%scan3A_206 = %broadcast_in_dim3A_1, %scan3A_207 = %broadcast_in_dim3A_1, %scan3A_208 = %broadcast_in_dim3A_1, %scan3A_209 = %broadcast_in_dim3A_1) -> (vector<16xi32>, vector<16xi32>, vector<16xi32>, vector<16xi32>)  : i32 {
      %mul3A_210 = arith.constant 2 : i32
      %mul3A_211 = arith.muli %mul3A_210, %scan3A_205 : i32
      %add3A_212 = vector.broadcast %mul3A_211 : i32 to vector<16xi32>
      %add3A_213 = arith.addi %mul3A_14, %add3A_212 : vector<16xi32>
      %gather3A_214 = tpu.vector_load_idx %arg5[%add3A_213] : memref<1020xi32, #tpu.memory_space<vmem>>[vector<16xi32>], vector<16xi32>,
      %mul3A_215 = arith.constant 2 : i32
      %mul3A_216 = arith.muli %mul3A_215, %scan3A_205 : i32
      %add3A_217 = vector.broadcast %mul3A_216 : i32 to vector<16xi32>
      %add3A_218 = arith.addi %mul3A_17, %add3A_217 : vector<16xi32>
      %gather3A_219 = tpu.vector_load_idx %arg5[%add3A_218] : memref<1020xi32, #tpu.memory_space<vmem>>[vector<16xi32>], vector<16xi32>,
      %mul3A_220 = arith.constant 2 : i32
      %mul3A_221 = arith.muli %mul3A_220, %scan3A_205 : i32
      %add3A_222 = arith.constant 1 : i32
      %add3A_223 = arith.addi %mul3A_221, %add3A_222 : i32
      %add3A_224 = vector.broadcast %add3A_223 : i32 to vector<16xi32>
      %add3A_225 = arith.addi %mul3A_14, %add3A_224 : vector<16xi32>
      %gather3A_226 = tpu.vector_load_idx %arg5[%add3A_225] : memref<1020xi32, #tpu.memory_space<vmem>>[vector<16xi32>], vector<16xi32>,
      %mul3A_227 = arith.constant 2 : i32
      %mul3A_228 = arith.muli %mul3A_227, %scan3A_205 : i32
      %add3A_229 = arith.constant 1 : i32
      %add3A_230 = arith.addi %mul3A_228, %add3A_229 : i32
      %add3A_231 = vector.broadcast %add3A_230 : i32 to vector<16xi32>
      %add3A_232 = arith.addi %mul3A_17, %add3A_231 : vector<16xi32>
      %gather3A_233 = tpu.vector_load_idx %arg5[%add3A_232] : memref<1020xi32, #tpu.memory_space<vmem>>[vector<16xi32>], vector<16xi32>,
      %add3A_234 = arith.addi %scan3A_206, %gather3A_226 : vector<16xi32>
      %add3A_235 = arith.addi %scan3A_207, %gather3A_233 : vector<16xi32>
      %mul3A_236 = arith.muli %gather3A_226, %gather3A_214 : vector<16xi32>
      %add3A_237 = arith.addi %scan3A_208, %mul3A_236 : vector<16xi32>
      %mul3A_238 = arith.muli %gather3A_233, %gather3A_219 : vector<16xi32>
      %add3A_239 = arith.addi %scan3A_209, %mul3A_238 : vector<16xi32>
      scf.yield %add3A_234, %add3A_235, %add3A_237, %add3A_239 : vector<16xi32>, vector<16xi32>, vector<16xi32>, vector<16xi32>
    }
    %scan3A_22 = arith.constant 17 : i32
    %jit3A = arith.constant 0 : i32
    %broadcast_in_dim3A_23 = vector.broadcast %jit3A : i32 to vector<16xi32>
    %select_n3A = arith.select %lt3A_11, %scan3A_21#1, %broadcast_in_dim3A_23 : vector<16xi1>, vector<16xi32>
    %jit3A_24 = arith.constant 0 : i32
    %broadcast_in_dim3A_25 = vector.broadcast %jit3A_24 : i32 to vector<16xi32>
    %select_n3A_26 = arith.select %lt3A_11, %scan3A_21#3, %broadcast_in_dim3A_25 : vector<16xi1>, vector<16xi32>
    %get3A = arith.constant 0 : index
    %get3A_27 = tpu.vector_load %arg6[%get3A] {strides = array<i32>} : memref<128xf32, #tpu.memory_space<vmem>>, vector<16xf32>,
    %swap3A = arith.constant 8 : index
    %swap3A_28 = tpu.vector_load %arg7[%swap3A] {strides = array<i32>} : memref<32xf32, #tpu.memory_space<vmem>>, vector<16xf32>,
    tpu.vector_store %arg7[%swap3A], %get3A_27 {strides = array<i32>} : memref<32xf32, #tpu.memory_space<vmem>>, vector<16xf32>,
    %broadcast_in_dim3A_29 = arith.constant 8 : i32
    %broadcast_in_dim3A_30 = vector.broadcast %broadcast_in_dim3A_29 : i32 to vector<16xi32>
    %gather3A = tpu.vector_load_idx %arg7[%broadcast_in_dim3A_30] : memref<32xf32, #tpu.memory_space<vmem>>[vector<16xi32>], vector<16xf32>,
    %broadcast_in_dim3A_31 = arith.constant 9 : i32
    %broadcast_in_dim3A_32 = vector.broadcast %broadcast_in_dim3A_31 : i32 to vector<16xi32>
    %gather3A_33 = tpu.vector_load_idx %arg7[%broadcast_in_dim3A_32] : memref<32xf32, #tpu.memory_space<vmem>>[vector<16xi32>], vector<16xf32>,
    %convert_element_type3A = arith.sitofp %scan3A_21#0 : vector<16xi32> to vector<16xf32>
    %convert_element_type3A_34 = arith.sitofp %scan3A_21#2 : vector<16xi32> to vector<16xf32>
    %sub3A = arith.subf %convert_element_type3A, %convert_element_type3A_34 : vector<16xf32>
    %max3A = arith.constant 1.000000e+00 : f32
    %max3A_35 = vector.broadcast %max3A : f32 to vector<16xf32>
    %max3A_36 = arith.maximumf %convert_element_type3A, %max3A_35 : vector<16xf32>
    %gt3A = arith.constant 0 : i32
    %gt3A_37 = vector.broadcast %gt3A : i32 to vector<16xi32>
    %gt3A_38 = arith.cmpi sgt, %scan3A_21#0, %gt3A_37 : vector<16xi32>
    %mul3A_39 = arith.mulf %sub3A, %gather3A : vector<16xf32>
    %mul3A_40 = arith.mulf %convert_element_type3A_34, %gather3A_33 : vector<16xf32>
    %add3A_41 = arith.addf %mul3A_39, %mul3A_40 : vector<16xf32>
    %div3A = arith.divf %add3A_41, %max3A_36 : vector<16xf32>
    %jit3A_42 = arith.constant 0.000000e+00 : f32
    %broadcast_in_dim3A_43 = vector.broadcast %jit3A_42 : f32 to vector<16xf32>
    %select_n3A_44 = arith.select %gt3A_38, %div3A, %broadcast_in_dim3A_43 : vector<16xi1>, vector<16xf32>
    %sub3A_45 = arith.subf %gather3A, %select_n3A_44 : vector<16xf32>
    %mul3A_46 = arith.mulf %sub3A, %sub3A_45 : vector<16xf32>
    %sub3A_47 = arith.subf %gather3A, %select_n3A_44 : vector<16xf32>
    %mul3A_48 = arith.mulf %mul3A_46, %sub3A_47 : vector<16xf32>
    %sub3A_49 = arith.subf %gather3A_33, %select_n3A_44 : vector<16xf32>
    %mul3A_50 = arith.mulf %convert_element_type3A_34, %sub3A_49 : vector<16xf32>
    %sub3A_51 = arith.subf %gather3A_33, %select_n3A_44 : vector<16xf32>
    %mul3A_52 = arith.mulf %mul3A_50, %sub3A_51 : vector<16xf32>
    %add3A_53 = arith.addf %mul3A_48, %mul3A_52 : vector<16xf32>
    %gt3A_54 = arith.constant 0 : i32
    %gt3A_55 = vector.broadcast %gt3A_54 : i32 to vector<16xi32>
    %gt3A_56 = arith.cmpi sgt, %scan3A_21#0, %gt3A_55 : vector<16xi32>
    %div3A_57 = arith.divf %add3A_53, %max3A_36 : vector<16xf32>
    %jit3A_58 = arith.constant 0.000000e+00 : f32
    %broadcast_in_dim3A_59 = vector.broadcast %jit3A_58 : f32 to vector<16xf32>
    %select_n3A_60 = arith.select %gt3A_56, %div3A_57, %broadcast_in_dim3A_59 : vector<16xi1>, vector<16xf32>
    %convert_element_type3A_61 = arith.sitofp %select_n3A : vector<16xi32> to vector<16xf32>
    %convert_element_type3A_62 = arith.sitofp %select_n3A_26 : vector<16xi32> to vector<16xf32>
    %sub3A_63 = arith.subf %convert_element_type3A_61, %convert_element_type3A_62 : vector<16xf32>
    %max3A_64 = arith.constant 1.000000e+00 : f32
    %max3A_65 = vector.broadcast %max3A_64 : f32 to vector<16xf32>
    %max3A_66 = arith.maximumf %convert_element_type3A_61, %max3A_65 : vector<16xf32>
    %gt3A_67 = arith.constant 0 : i32
    %gt3A_68 = vector.broadcast %gt3A_67 : i32 to vector<16xi32>
    %gt3A_69 = arith.cmpi sgt, %select_n3A, %gt3A_68 : vector<16xi32>
    %mul3A_70 = arith.mulf %sub3A_63, %gather3A : vector<16xf32>
    %mul3A_71 = arith.mulf %convert_element_type3A_62, %gather3A_33 : vector<16xf32>
    %add3A_72 = arith.addf %mul3A_70, %mul3A_71 : vector<16xf32>
    %div3A_73 = arith.divf %add3A_72, %max3A_66 : vector<16xf32>
    %jit3A_74 = arith.constant 0.000000e+00 : f32
    %broadcast_in_dim3A_75 = vector.broadcast %jit3A_74 : f32 to vector<16xf32>
    %select_n3A_76 = arith.select %gt3A_69, %div3A_73, %broadcast_in_dim3A_75 : vector<16xi1>, vector<16xf32>
    %sub3A_77 = arith.subf %gather3A, %select_n3A_76 : vector<16xf32>
    %mul3A_78 = arith.mulf %sub3A_63, %sub3A_77 : vector<16xf32>
    %sub3A_79 = arith.subf %gather3A, %select_n3A_76 : vector<16xf32>
    %mul3A_80 = arith.mulf %mul3A_78, %sub3A_79 : vector<16xf32>
    %sub3A_81 = arith.subf %gather3A_33, %select_n3A_76 : vector<16xf32>
    %mul3A_82 = arith.mulf %convert_element_type3A_62, %sub3A_81 : vector<16xf32>
    %sub3A_83 = arith.subf %gather3A_33, %select_n3A_76 : vector<16xf32>
    %mul3A_84 = arith.mulf %mul3A_82, %sub3A_83 : vector<16xf32>
    %add3A_85 = arith.addf %mul3A_80, %mul3A_84 : vector<16xf32>
    %gt3A_86 = arith.constant 0 : i32
    %gt3A_87 = vector.broadcast %gt3A_86 : i32 to vector<16xi32>
    %gt3A_88 = arith.cmpi sgt, %select_n3A, %gt3A_87 : vector<16xi32>
    %div3A_89 = arith.divf %add3A_85, %max3A_66 : vector<16xf32>
    %jit3A_90 = arith.constant 0.000000e+00 : f32
    %broadcast_in_dim3A_91 = vector.broadcast %jit3A_90 : f32 to vector<16xf32>
    %select_n3A_92 = arith.select %gt3A_88, %div3A_89, %broadcast_in_dim3A_91 : vector<16xi1>, vector<16xf32>
    %gt3A_93 = arith.constant 0 : i32
    %gt3A_94 = vector.broadcast %gt3A_93 : i32 to vector<16xi32>
    %gt3A_95 = arith.cmpi sgt, %scan3A_21#0, %gt3A_94 : vector<16xi32>
    %jit3A_96 = arith.constant 1 : i32
    %jit3A_97 = arith.constant 0 : i32
    %broadcast_in_dim3A_98 = vector.broadcast %jit3A_96 : i32 to vector<16xi32>
    %broadcast_in_dim3A_99 = vector.broadcast %jit3A_97 : i32 to vector<16xi32>
    %select_n3A_100 = arith.select %gt3A_95, %broadcast_in_dim3A_98, %broadcast_in_dim3A_99 : vector<16xi1>, vector<16xi32>
    %gt3A_101 = arith.constant 0 : i32
    %gt3A_102 = vector.broadcast %gt3A_101 : i32 to vector<16xi32>
    %gt3A_103 = arith.cmpi sgt, %select_n3A, %gt3A_102 : vector<16xi32>
    %jit3A_104 = arith.constant 1 : i32
    %jit3A_105 = arith.constant 0 : i32
    %broadcast_in_dim3A_106 = vector.broadcast %jit3A_104 : i32 to vector<16xi32>
    %broadcast_in_dim3A_107 = vector.broadcast %jit3A_105 : i32 to vector<16xi32>
    %select_n3A_108 = arith.select %gt3A_103, %broadcast_in_dim3A_106, %broadcast_in_dim3A_107 : vector<16xi1>, vector<16xi32>
    %add3A_109 = arith.addi %select_n3A_100, %select_n3A_108 : vector<16xi32>
    %broadcast_in_dim3A_110 = arith.constant true
    %broadcast_in_dim3A_111 = vector.broadcast %broadcast_in_dim3A_110 : i1 to vector<16xi1>
    %masked_cumsum3A = tpu.scan <sum>, %add3A_109 masked %broadcast_in_dim3A_111 : vector<16xi32>, vector<16xi1> -> vector<16xi32>
    %swap3A_112 = arith.constant 0 : index
    %swap3A_113 = tpu.vector_load %arg8[%swap3A_112] {strides = array<i32>} : memref<16xi32, #tpu.memory_space<vmem>>, vector<16xi32>,
    tpu.vector_store %arg8[%swap3A_112], %masked_cumsum3A {strides = array<i32>} : memref<16xi32, #tpu.memory_space<vmem>>, vector<16xi32>,
    %broadcast_in_dim3A_114 = arith.constant 15 : i32
    %broadcast_in_dim3A_115 = vector.broadcast %broadcast_in_dim3A_114 : i32 to vector<16xi32>
    %gather3A_116 = tpu.vector_load_idx %arg8[%broadcast_in_dim3A_115] : memref<16xi32, #tpu.memory_space<vmem>>[vector<16xi32>], vector<16xi32>,
    %add3A_117 = arith.addf %select_n3A_60, %select_n3A_92 : vector<16xf32>
    %broadcast_in_dim3A_118 = arith.constant true
    %broadcast_in_dim3A_119 = vector.broadcast %broadcast_in_dim3A_118 : i1 to vector<16xi1>
    %masked_cumsum3A_120 = tpu.scan <sum>, %add3A_117 masked %broadcast_in_dim3A_119 : vector<16xf32>, vector<16xi1> -> vector<16xf32>
    %swap3A_121 = arith.constant 0 : index
    %swap3A_122 = tpu.vector_load %arg9[%swap3A_121] {strides = array<i32>} : memref<16xf32, #tpu.memory_space<vmem>>, vector<16xf32>,
    tpu.vector_store %arg9[%swap3A_121], %masked_cumsum3A_120 {strides = array<i32>} : memref<16xf32, #tpu.memory_space<vmem>>, vector<16xf32>,
    %broadcast_in_dim3A_123 = arith.constant 15 : i32
    %broadcast_in_dim3A_124 = vector.broadcast %broadcast_in_dim3A_123 : i32 to vector<16xi32>
    %gather3A_125 = tpu.vector_load_idx %arg9[%broadcast_in_dim3A_124] : memref<16xf32, #tpu.memory_space<vmem>>[vector<16xi32>], vector<16xf32>,
    %swap3A_126 = arith.constant 0 : index
    %swap3A_127 = tpu.vector_load %arg7[%swap3A_126] {strides = array<i32>} : memref<32xf32, #tpu.memory_space<vmem>>, vector<16xf32>,
    tpu.vector_store %arg7[%swap3A_126], %select_n3A_44 {strides = array<i32>} : memref<32xf32, #tpu.memory_space<vmem>>, vector<16xf32>,
    %swap3A_128 = arith.constant 16 : index
    %swap3A_129 = tpu.vector_load %arg7[%swap3A_128] {strides = array<i32>} : memref<32xf32, #tpu.memory_space<vmem>>, vector<16xf32>,
    tpu.vector_store %arg7[%swap3A_128], %select_n3A_76 {strides = array<i32>} : memref<32xf32, #tpu.memory_space<vmem>>, vector<16xf32>,
    %lt3A_130 = arith.cmpi slt, %iota3A, %gather3A_116 : vector<16xi32>
    %convert_element_type3A_131 = arith.extui %lt3A_130 : vector<16xi1> to vector<16xi32>
    %convert_element_type3A_132 = arith.sitofp %convert_element_type3A_131 : vector<16xi32> to vector<16xf32>
    %add3A_133 = arith.constant 16 : i32
    %add3A_134 = vector.broadcast %add3A_133 : i32 to vector<16xi32>
    %add3A_135 = arith.addi %iota3A, %add3A_134 : vector<16xi32>
    %lt3A_136 = arith.cmpi slt, %add3A_135, %gather3A_116 : vector<16xi32>
    %convert_element_type3A_137 = arith.extui %lt3A_136 : vector<16xi1> to vector<16xi32>
    %convert_element_type3A_138 = arith.sitofp %convert_element_type3A_137 : vector<16xi32> to vector<16xf32>
    %add3A_139 = arith.constant 16 : i32
    %add3A_140 = vector.broadcast %add3A_139 : i32 to vector<16xi32>
    %add3A_141 = arith.addi %iota3A, %add3A_140 : vector<16xi32>
    %broadcast_in_dim3A_142 = arith.constant 0.000000e+00 : f32
    %broadcast_in_dim3A_143 = vector.broadcast %broadcast_in_dim3A_142 : f32 to vector<16xf32>
    %scan3A_144 = arith.constant 0 : i32
    %scan3A_145 = arith.constant 30 : i32
    %scan3A_146 = arith.addi %scan3A_144, %scan3A_145 : i32
    %scan3A_147 = arith.constant 1 : i32
    %scan3A_148:2 = scf.for %scan3A_205 = %scan3A_144 to %scan3A_146 step %scan3A_147 iter_args(%scan3A_206 = %broadcast_in_dim3A_143, %scan3A_207 = %broadcast_in_dim3A_143) -> (vector<16xf32>, vector<16xf32>)  : i32 {
      %broadcast_in_dim3A_208 = vector.broadcast %scan3A_205 : i32 to vector<16xi32>
      %gather3A_209 = tpu.vector_load_idx %arg7[%broadcast_in_dim3A_208] : memref<32xf32, #tpu.memory_space<vmem>>[vector<16xi32>], vector<16xf32>,
      %sub3A_210 = arith.subf %gather3A_209, %select_n3A_44 : vector<16xf32>
      %sub3A_211 = arith.subf %gather3A_209, %select_n3A_76 : vector<16xf32>
      %mul3A_212 = arith.mulf %sub3A_210, %sub3A_210 : vector<16xf32>
      %neg3A = arith.constant 0.000000e+00 : f32
      %neg3A_213 = vector.broadcast %neg3A : f32 to vector<16xf32>
      %neg3A_214 = arith.subf %neg3A_213, %mul3A_212 : vector<16xf32>
      %exp3A = math.exp %neg3A_214 : vector<16xf32>
      %mul3A_215 = arith.mulf %sub3A_211, %sub3A_211 : vector<16xf32>
      %neg3A_216 = arith.constant 0.000000e+00 : f32
      %neg3A_217 = vector.broadcast %neg3A_216 : f32 to vector<16xf32>
      %neg3A_218 = arith.subf %neg3A_217, %mul3A_215 : vector<16xf32>
      %exp3A_219 = math.exp %neg3A_218 : vector<16xf32>
      %gt3A_220 = vector.broadcast %scan3A_205 : i32 to vector<16xi32>
      %gt3A_221 = arith.cmpi sgt, %iota3A, %gt3A_220 : vector<16xi32>
      %convert_element_type3A_222 = arith.extui %gt3A_221 : vector<16xi1> to vector<16xi32>
      %convert_element_type3A_223 = arith.sitofp %convert_element_type3A_222 : vector<16xi32> to vector<16xf32>
      %gt3A_224 = vector.broadcast %scan3A_205 : i32 to vector<16xi32>
      %gt3A_225 = arith.cmpi sgt, %add3A_141, %gt3A_224 : vector<16xi32>
      %convert_element_type3A_226 = arith.extui %gt3A_225 : vector<16xi1> to vector<16xi32>
      %convert_element_type3A_227 = arith.sitofp %convert_element_type3A_226 : vector<16xi32> to vector<16xf32>
      %mul3A_228 = arith.mulf %convert_element_type3A_223, %convert_element_type3A_132 : vector<16xf32>
      %mul3A_229 = arith.mulf %exp3A, %mul3A_228 : vector<16xf32>
      %add3A_230 = arith.addf %scan3A_206, %mul3A_229 : vector<16xf32>
      %mul3A_231 = arith.mulf %convert_element_type3A_227, %convert_element_type3A_138 : vector<16xf32>
      %mul3A_232 = arith.mulf %exp3A_219, %mul3A_231 : vector<16xf32>
      %add3A_233 = arith.addf %scan3A_207, %mul3A_232 : vector<16xf32>
      scf.yield %add3A_230, %add3A_233 : vector<16xf32>, vector<16xf32>
    }
    %scan3A_149 = arith.constant 30 : i32
    %add3A_150 = arith.addf %scan3A_148#0, %scan3A_148#1 : vector<16xf32>
    %broadcast_in_dim3A_151 = arith.constant true
    %broadcast_in_dim3A_152 = vector.broadcast %broadcast_in_dim3A_151 : i1 to vector<16xi1>
    %masked_cumsum3A_153 = tpu.scan <sum>, %add3A_150 masked %broadcast_in_dim3A_152 : vector<16xf32>, vector<16xi1> -> vector<16xf32>
    %swap3A_154 = arith.constant 0 : index
    %swap3A_155 = tpu.vector_load %arg9[%swap3A_154] {strides = array<i32>} : memref<16xf32, #tpu.memory_space<vmem>>, vector<16xf32>,
    tpu.vector_store %arg9[%swap3A_154], %masked_cumsum3A_153 {strides = array<i32>} : memref<16xf32, #tpu.memory_space<vmem>>, vector<16xf32>,
    %broadcast_in_dim3A_156 = arith.constant 15 : i32
    %broadcast_in_dim3A_157 = vector.broadcast %broadcast_in_dim3A_156 : i32 to vector<16xi32>
    %gather3A_158 = tpu.vector_load_idx %arg9[%broadcast_in_dim3A_157] : memref<16xf32, #tpu.memory_space<vmem>>[vector<16xi32>], vector<16xf32>,
    %convert_element_type3A_159 = arith.sitofp %gather3A_116 : vector<16xi32> to vector<16xf32>
    %gt3A_160 = arith.constant 0 : i32
    %gt3A_161 = vector.broadcast %gt3A_160 : i32 to vector<16xi32>
    %gt3A_162 = arith.cmpi sgt, %gather3A_116, %gt3A_161 : vector<16xi32>
    %max3A_163 = arith.constant 1.000000e+00 : f32
    %max3A_164 = vector.broadcast %max3A_163 : f32 to vector<16xf32>
    %max3A_165 = arith.maximumf %convert_element_type3A_159, %max3A_164 : vector<16xf32>
    %div3A_166 = arith.divf %gather3A_125, %max3A_165 : vector<16xf32>
    %jit3A_167 = arith.constant 0.000000e+00 : f32
    %broadcast_in_dim3A_168 = vector.broadcast %jit3A_167 : f32 to vector<16xf32>
    %select_n3A_169 = arith.select %gt3A_162, %div3A_166, %broadcast_in_dim3A_168 : vector<16xi1>, vector<16xf32>
    %sub3A_170 = arith.constant 1.000000e+00 : f32
    %sub3A_171 = vector.broadcast %sub3A_170 : f32 to vector<16xf32>
    %sub3A_172 = arith.subf %convert_element_type3A_159, %sub3A_171 : vector<16xf32>
    %mul3A_173 = arith.mulf %convert_element_type3A_159, %sub3A_172 : vector<16xf32>
    %mul3A_174 = arith.constant 5.000000e-01 : f32
    %mul3A_175 = vector.broadcast %mul3A_174 : f32 to vector<16xf32>
    %mul3A_176 = arith.mulf %mul3A_173, %mul3A_175 : vector<16xf32>
    %gt3A_177 = arith.constant 1 : i32
    %gt3A_178 = vector.broadcast %gt3A_177 : i32 to vector<16xi32>
    %gt3A_179 = arith.cmpi sgt, %gather3A_116, %gt3A_178 : vector<16xi32>
    %max3A_180 = arith.constant 1.000000e+00 : f32
    %max3A_181 = vector.broadcast %max3A_180 : f32 to vector<16xf32>
    %max3A_182 = arith.maximumf %mul3A_176, %max3A_181 : vector<16xf32>
    %div3A_183 = arith.divf %gather3A_158, %max3A_182 : vector<16xf32>
    %select_n3A_184 = arith.select %gt3A_179, %div3A_183, %gather3A_158 : vector<16xi1>, vector<16xf32>
    %mul3A_185 = arith.constant 5.000000e-01 : f32
    %mul3A_186 = vector.broadcast %mul3A_185 : f32 to vector<16xf32>
    %mul3A_187 = arith.mulf %select_n3A_184, %mul3A_186 : vector<16xf32>
    %eq3A = arith.constant 0 : i32
    %eq3A_188 = vector.broadcast %eq3A : i32 to vector<16xi32>
    %eq3A_189 = arith.cmpi eq, %iota3A, %eq3A_188 : vector<16xi32>
    %eq3A_190 = arith.constant 1 : i32
    %eq3A_191 = vector.broadcast %eq3A_190 : i32 to vector<16xi32>
    %eq3A_192 = arith.cmpi eq, %iota3A, %eq3A_191 : vector<16xi32>
    %jit3A_193 = arith.constant 0.000000e+00 : f32
    %broadcast_in_dim3A_194 = vector.broadcast %jit3A_193 : f32 to vector<16xf32>
    %select_n3A_195 = arith.select %eq3A_192, %select_n3A_169, %broadcast_in_dim3A_194 : vector<16xi1>, vector<16xf32>
    %select_n3A_196 = arith.select %eq3A_189, %mul3A_187, %select_n3A_195 : vector<16xi1>, vector<16xf32>
    %swap3A_197 = arith.constant 0 : index
    %swap3A_198 = tpu.vector_load %arg10[%swap3A_197] {strides = array<i32>} : memref<16xf32, #tpu.memory_space<vmem>>, vector<16xf32>,
    tpu.vector_store %arg10[%swap3A_197], %select_n3A_196 {strides = array<i32>} : memref<16xf32, #tpu.memory_space<vmem>>, vector<16xf32>,
    %mul3A_199 = arith.constant 16 : i32
    %mul3A_200 = arith.muli %arg1, %mul3A_199 : i32
    "tpu.region"() ({
      %run_scoped3A = tpu.sem_alloc : memref<!tpu.dma_semaphore, #tpu.memory_space<semaphore_mem>>
      %dma_start3A = tpu.memref_slice %arg11[%mul3A_200] : memref<256xf32, #tpu.memory_space<vmem_shared>> -> memref<16xf32, #tpu.memory_space<vmem_shared>>
      %dma_start3A_205 = tpu.memref_slice %arg11[%mul3A_200] : memref<256xf32, #tpu.memory_space<vmem_shared>> -> memref<16xf32, #tpu.memory_space<vmem_shared>>
      tpu.enqueue_dma source(%arg10 : memref<16xf32, #tpu.memory_space<vmem>>) target(%dma_start3A_205 : memref<16xf32, #tpu.memory_space<vmem_shared>>) target_semaphore(%run_scoped3A : memref<!tpu.dma_semaphore, #tpu.memory_space<semaphore_mem>>)
      %dma_wait3A = tpu.memref_slice %arg11[%mul3A_200] : memref<256xf32, #tpu.memory_space<vmem_shared>> -> memref<16xf32, #tpu.memory_space<vmem_shared>>
      %dma_wait3A_206 = tpu.memref_slice %arg11[%mul3A_200] : memref<256xf32, #tpu.memory_space<vmem_shared>> -> memref<16xf32, #tpu.memory_space<vmem_shared>>
      tpu.wait_dma2 semaphore(%run_scoped3A : memref<!tpu.dma_semaphore, #tpu.memory_space<semaphore_mem>>) src(%arg10 : memref<16xf32, #tpu.memory_space<vmem>>) dst(%dma_wait3A_206 : memref<16xf32, #tpu.memory_space<vmem_shared>>)
      tpu.yield
    }) : () -> ()
    %barrier3A = arith.constant 0 : index
    tpu.barrier barrier_id(%barrier3A)
    %eq3A_201 = arith.constant 0 : i32
    %eq3A_202 = arith.cmpi eq, %arg1, %eq3A_201 : i32
    %convert_element_type3A_203 = arith.extui %eq3A_202 : i1 to i32
    %cond3A = arith.constant 0 : i32
    %cond3A_204 = arith.cmpi ne, %convert_element_type3A_203, %cond3A : i32
    scf.if %cond3A_204 {
      "tpu.region"() ({
        %run_scoped3A = tpu.sem_alloc : memref<!tpu.dma_semaphore, #tpu.memory_space<semaphore_mem>>
        tpu.enqueue_dma source(%arg11 : memref<256xf32, #tpu.memory_space<vmem_shared>>) target(%arg12 : memref<256xf32, #tpu.memory_space<vmem>>) target_semaphore(%run_scoped3A : memref<!tpu.dma_semaphore, #tpu.memory_space<semaphore_mem>>)
        tpu.wait_dma2 semaphore(%run_scoped3A : memref<!tpu.dma_semaphore, #tpu.memory_space<semaphore_mem>>) src(%arg11 : memref<256xf32, #tpu.memory_space<vmem_shared>>) dst(%arg12 : memref<256xf32, #tpu.memory_space<vmem>>)
        tpu.yield
      }) : () -> ()
      %shift_right_arithmetic3A = arith.constant 1 : i32
      %shift_right_arithmetic3A_205 = vector.broadcast %shift_right_arithmetic3A : i32 to vector<16xi32>
      %shift_right_arithmetic3A_206 = arith.shrsi %iota3A, %shift_right_arithmetic3A_205 : vector<16xi32>
      %and3A = arith.constant 1 : i32
      %and3A_207 = vector.broadcast %and3A : i32 to vector<16xi32>
      %and3A_208 = arith.andi %iota3A, %and3A_207 : vector<16xi32>
      %mul3A_209 = arith.constant 16 : i32
      %mul3A_210 = vector.broadcast %mul3A_209 : i32 to vector<16xi32>
      %mul3A_211 = arith.muli %shift_right_arithmetic3A_206, %mul3A_210 : vector<16xi32>
      %add3A_212 = arith.addi %mul3A_211, %and3A_208 : vector<16xi32>
      %gather3A_213 = tpu.vector_load_idx %arg12[%add3A_212] : memref<256xf32, #tpu.memory_space<vmem>>[vector<16xi32>], vector<16xf32>,
      %add3A_214 = arith.constant 8 : i32
      %add3A_215 = vector.broadcast %add3A_214 : i32 to vector<16xi32>
      %add3A_216 = arith.addi %shift_right_arithmetic3A_206, %add3A_215 : vector<16xi32>
      %mul3A_217 = arith.constant 16 : i32
      %mul3A_218 = vector.broadcast %mul3A_217 : i32 to vector<16xi32>
      %mul3A_219 = arith.muli %add3A_216, %mul3A_218 : vector<16xi32>
      %add3A_220 = arith.addi %mul3A_219, %and3A_208 : vector<16xi32>
      %gather3A_221 = tpu.vector_load_idx %arg12[%add3A_220] : memref<256xf32, #tpu.memory_space<vmem>>[vector<16xi32>], vector<16xf32>,
      %swap3A_222 = arith.constant 0 : index
      %swap3A_223 = tpu.vector_load %arg13[%swap3A_222] {strides = array<i32>} : memref<32xf32, #tpu.memory_space<vmem>>, vector<16xf32>,
      tpu.vector_store %arg13[%swap3A_222], %gather3A_213 {strides = array<i32>} : memref<32xf32, #tpu.memory_space<vmem>>, vector<16xf32>,
      %swap3A_224 = arith.constant 16 : index
      %swap3A_225 = tpu.vector_load %arg13[%swap3A_224] {strides = array<i32>} : memref<32xf32, #tpu.memory_space<vmem>>, vector<16xf32>,
      tpu.vector_store %arg13[%swap3A_224], %gather3A_221 {strides = array<i32>} : memref<32xf32, #tpu.memory_space<vmem>>, vector<16xf32>,
      %mul3A_226 = arith.constant 32 : i32
      %mul3A_227 = arith.muli %arg0, %mul3A_226 : i32
      "tpu.region"() ({
        %run_scoped3A = tpu.sem_alloc : memref<!tpu.dma_semaphore, #tpu.memory_space<semaphore_mem>>
        %dma_start3A = tpu.memref_slice %arg4[%mul3A_227] : memref<64xf32, #tpu.memory_space<hbm>> -> memref<32xf32, #tpu.memory_space<hbm>>
        %dma_start3A_228 = tpu.memref_slice %arg4[%mul3A_227] : memref<64xf32, #tpu.memory_space<hbm>> -> memref<32xf32, #tpu.memory_space<hbm>>
        tpu.enqueue_dma source(%arg13 : memref<32xf32, #tpu.memory_space<vmem>>) target(%dma_start3A_228 : memref<32xf32, #tpu.memory_space<hbm>>) target_semaphore(%run_scoped3A : memref<!tpu.dma_semaphore, #tpu.memory_space<semaphore_mem>>)
        %dma_wait3A = tpu.memref_slice %arg4[%mul3A_227] : memref<64xf32, #tpu.memory_space<hbm>> -> memref<32xf32, #tpu.memory_space<hbm>>
        %dma_wait3A_229 = tpu.memref_slice %arg4[%mul3A_227] : memref<64xf32, #tpu.memory_space<hbm>> -> memref<32xf32, #tpu.memory_space<hbm>>
        tpu.wait_dma2 semaphore(%run_scoped3A : memref<!tpu.dma_semaphore, #tpu.memory_space<semaphore_mem>>) src(%arg13 : memref<32xf32, #tpu.memory_space<vmem>>) dst(%dma_wait3A_229 : memref<32xf32, #tpu.memory_space<hbm>>)
        tpu.yield
      }) : () -> ()
    } else {
    }
    return
  }
}

</mosaic_0001>

<sc_bundles>
// kernel: aeloss_sc.3.cloned.1.call-start
scs
__scs_entry_jumppad:
0x0: {  	(pc) =	sbr.rel $0x88, $3  }
0x1: {  	(tag) =	ssettag $0x0;
	lr =	simm.s32 $0x1  }
0x2: {  	[smem:$0x3F9F] =	sst lr;
	_ =	strace $0xD0000000  }
0x3: {  	_ = 	snop  }
0x4: {  	_ = 	snop  }
0x5: {  	_ = 	snop  }
0x6: {  	_ = 	snop  }
0x7: {  	_ = 	snop  }
__scs_overlays_trampoline_lowered:
0x8: {  	[smem:$0x3FAE] =	sst s0  }
0x9: {  	[smem:$0x3FAF] =	sst s1  }
0xa: {  	[smem:$0x3FB0] =	sst s2  }
0xb: {  	[smem:$0x3FB1] =	sst s3  }
0xc: {  	[smem:$0x3FB2] =	sst s4  }
0xd: {  	[smem:$0x3FB3] =	sst s5  }
0xe: {  	[smem:$0x3FB4] =	sst s6  }
0xf: {  	[smem:$0x3FB5] =	sst s7  }
0x10: {  	[smem:$0x3FB6] =	sst s8  }
0x11: {  	[smem:$0x3FB7] =	sst s9;
	s0 =	simm.s32 @!p0 $0x0  }
0x12: {  	s1 =	sld [smem:$0x3F9D];
	s0 =	simm.s32 @p0 $0x1  }
0x13: {  	[smem:$0x3FB8] =	sst s0;
	s0 =	simm.s32 @!p1 $0x0  }
0x14: {  	s2 =	sld [smem:$0x3F9C];
	s0 =	simm.s32 @p1 $0x1  }
0x15: {  	[smem:$0x3FB9] =	sst s0;
	s0 =	simm.s32 @!p2 $0x0  }
0x16: {  	s3 =	sld [smem:$0x3FDB];
	s0 =	simm.s32 @p2 $0x1  }
0x17: {  	s4 =	simm.s32 $0x1BF5;
	[smem:$0x3FBB] =	sst s0  }
0x18: {  	s0 =	sld [smem:$0x3F9E];
	_ =	swait.ge [sflag:s4], $0x0  }
0x19: {  	s7 =	sld [smem:$0x3F9F]  }
0x1a: {  	s8 =	sadd.s32 $0xFFFFE003, lr  }
0x1b: {  	s9 =	sadd.s32 $0xFFFFFEF7, lr;
	s5 =	simm.s32 $0xFFFFFFFF;
	p2 =	slt.u32 s8, $0xFFFFF086  }
0x1c: {  	p1 =	slt.u32 s9, $0xF7A;
	s5 =	simm.s32 @!p2 $0x0  }
0x1d: {  	s5 =	simm.s32 @p1 $0x1;
	p0 =	seq.s32 s7, s2  }
0x1e: {  	s7 =	smul.u32 @!p0 $0xF7A, s2;
	p2 =	seq.s32 @!p0 s5, $0x0  }
0x1f: {  	s9 =	smul.u32 $0xF7A, s1;
	s8 =	simm.s32 @!p0 $0x1BF5;
	p2 =	por !p2, p0  }
0x20: {  	[sflag:s8] =	ssyncset.s32 @!p0 $0xFFFFF086;
	s6 =	sadd.s32 @!p0 s3, s7;
	s7 =	simm.s32 @!p0 $0x108  }
0x21: {  	s3 =	sadd.s32 s3, s9;
	s6 =	sadd.s32 @!p0 $0x88, s6;
	s7 =	simm.s32 @p2 $0x1082  }
0x22: {  	[simem:s7], [sflag:s8] =	dma.local @!p0 [hbm:s6], $0xF7A  }
0x23: {  	s9 =	sor.u32 $0xD0000000, s2;
	s6 =	simm.s32 $0x108;
	_ =	swait.ge @!p0 [sflag:s8], $0x0  }
0x24: {  	s3 =	sadd.s32 $0x88, s3;
	s6 =	simm.s32 @!p1 $0x1082;
	[sflag:s4] =	ssyncset.s32 $0xFFFFF086  }
0x25: {  	[simem:s6], [sflag:s4] =	dma.local [hbm:s3], $0xF7A  }
0x26: {  	[smem:$0x3F9F] =	sst s1;
	(tag) =	ssettag s2;
	_ =	strace s9  }
0x27: {  	s1 =	sld [smem:$0x3FAF]  }
0x28: {  	s2 =	sld [smem:$0x3FB0]  }
0x29: {  	s4 =	sld [smem:$0x3FB2]  }
0x2a: {  	p0 =	seq.s32 s5, $0x0;
	s5 =	sld [smem:$0x3FB3]  }
0x2b: {  	s6 =	sld [smem:$0x3FB4]  }
0x2c: {  	s7 =	sld [smem:$0x3FB5]  }
0x2d: {  	s3 =	simm.s32 $0x108;
	s8 =	sld [smem:$0x3FB6]  }
0x2e: {  	s3 =	simm.s32 @!p0 $0x1082;
	s9 =	sld [smem:$0x3FB7]  }
0x2f: {  	lr =	sadd.s32 s0, s3;
	s0 =	sld [smem:$0x3FAE]  }
0x30: {  	s3 =	sld [smem:$0x3FB1]  }
0x31: {  	[smem:$0x3FBA] =	sst s10  }
0x32: {  	s10 =	sld [smem:$0x3FB8];
	_ =	sdelay $0x3  }
0x33: {  	p0 =	seq.s32 s10, $0x1;
	s10 =	sld [smem:$0x3FBA];
	_ =	sdelay $0x3  }
0x34: {  	[smem:$0x3FBA] =	sst s10  }
0x35: {  	s10 =	sld [smem:$0x3FB9];
	_ =	sdelay $0x3  }
0x36: {  	p1 =	seq.s32 s10, $0x1;
	s10 =	sld [smem:$0x3FBA];
	_ =	sdelay $0x3  }
0x37: {  	[smem:$0x3FBA] =	sst s10  }
0x38: {  	s10 =	sld [smem:$0x3FBB]  }
0x39: {  	_ = 	snop;
	(pc) =	sbr.ind lr, $3  }
0x3a: {  	_ = 	snop  }
0x3b: {  	_ = 	snop  }
0x3c: {  	p2 =	seq.s32 s10, $0x1;
	s10 =	sld [smem:$0x3FBA]  }
0x3d: {  	_ =	shalt  }
0x3e: {  	_ =	shalt  }
0x3f: {  	_ =	shalt  }
0x40: {  	_ =	shalt  }
0x41: {  	_ =	shalt  }
0x42: {  	_ =	shalt  }
0x43: {  	_ =	shalt  }
0x44: {  	_ =	shalt  }
0x45: {  	_ =	shalt  }
0x46: {  	_ =	shalt  }
0x47: {  	_ =	shalt  }
0x48: {  	_ =	shalt  }
0x49: {  	_ =	shalt  }
0x4a: {  	_ =	shalt  }
0x4b: {  	_ =	shalt  }
0x4c: {  	_ =	shalt  }
0x4d: {  	_ =	shalt  }
0x4e: {  	_ =	shalt  }
0x4f: {  	_ =	shalt  }
0x50: {  	_ =	shalt  }
0x51: {  	_ =	shalt  }
0x52: {  	_ =	shalt  }
0x53: {  	_ =	shalt  }
0x54: {  	_ =	shalt  }
0x55: {  	_ =	shalt  }
0x56: {  	_ =	shalt  }
0x57: {  	_ =	shalt  }
0x58: {  	_ =	shalt  }
0x59: {  	_ =	shalt  }
0x5a: {  	_ =	shalt  }
0x5b: {  	_ =	shalt  }
0x5c: {  	_ =	shalt  }
0x5d: {  	_ =	shalt  }
0x5e: {  	_ =	shalt  }
0x5f: {  	_ =	shalt  }
0x60: {  	_ =	shalt  }
0x61: {  	_ =	shalt  }
0x62: {  	_ =	shalt  }
0x63: {  	_ =	shalt  }
0x64: {  	_ =	shalt  }
0x65: {  	_ =	shalt  }
0x66: {  	_ =	shalt  }
0x67: {  	_ =	shalt  }
0x68: {  	_ =	shalt  }
0x69: {  	_ =	shalt  }
0x6a: {  	_ =	shalt  }
0x6b: {  	_ =	shalt  }
0x6c: {  	_ =	shalt  }
0x6d: {  	_ =	shalt  }
0x6e: {  	_ =	shalt  }
0x6f: {  	_ =	shalt  }
0x70: {  	_ =	shalt  }
0x71: {  	_ =	shalt  }
0x72: {  	_ =	shalt  }
0x73: {  	_ =	shalt  }
0x74: {  	_ =	shalt  }
0x75: {  	_ =	shalt  }
0x76: {  	_ =	shalt  }
0x77: {  	_ =	shalt  }
0x78: {  	_ =	shalt  }
0x79: {  	_ =	shalt  }
0x7a: {  	_ =	shalt  }
0x7b: {  	_ =	shalt  }
0x7c: {  	_ =	shalt  }
0x7d: {  	_ =	shalt  }
0x7e: {  	_ =	shalt  }
0x7f: {  	_ =	shalt  }
0x80: {  	_ =	shalt  }
0x81: {  	_ =	shalt  }
0x82: {  	_ =	shalt  }
0x83: {  	_ =	shalt  }
0x84: {  	_ =	shalt  }
0x85: {  	_ =	shalt  }
0x86: {  	_ =	shalt  }
0x87: {  	_ =	shalt  }
.Lfunc_end0:
.L_simem_size_0:
called_computation_lowered:
.L_overlay_start_0:
0x88: {  	s2 =	sld [smem:$0x3FD9]  }
0x89: {  	s3 =	sld [smem:$0x3FFE];
	_ =	sdelay $0x1  }
0x8a: {  	s1 =	srdreg.scid  }
0x8b: {  	s0 =	sand.u32 $0x1, s1  }
0x8c: {  	s18 =	sshll.u32 s0, $0xA;
	s2 =	sadd.s32 s3, s2  }
0x8d: {  	s2 =	sadd.s32 s2, s18  }
0x8e: {  	[smem:$0x3FC6] =	sst s2  }
0x8f: {  	_ = 	snop  }
0x90: {  	s2 =	sld [smem:$0x3FC9]  }
0x91: {  	s19 =	sld [smem:$0x3FC8]  }
0x92: {  	s4 =	sld [smem:$0x3FD0];
	(tm) =	ssettm $0x1  }
0x93: {  	s5 =	sld [smem:$0x3FFB];
	_ =	sdelay $0x3  }
0x94: {  	_ =	strace s5  }
0x95: {  	s5 =	sld [smem:$0x3FFC];
	_ =	sdelay $0x3  }
0x96: {  	_ =	strace s5  }
0x97: {  	s5 =	sld [smem:$0x3FFD];
	_ =	sdelay $0x3  }
0x98: {  	_ =	strace s5  }
0x99: {  	_ =	strace $0x8FFFFFFF  }
0x9a: {  	s20 =	sld [smem:$0x3FDB];
	_ =	sdelay $0x1  }
0x9b: {  	s6 =	simm.s32 $_scs_section_size  }
0x9c: {  	s7 =	simm.s32 $_size__tile_overlayer_lowered;
	s8 =	simm.s32 $_tile_overlayer_lowered  }
0x9d: {  	s23 =	simm.s32 $0x1BFF;
	s22 =	sshll.u32 s8, $0x1;
	s5 =	sadd.s32 s6, s20  }
0x9e: {  	s9 =	simm.s32 $0x0;
	s21 =	sshll.u32 s7, $0x1;
	s7 =	sadd.s32 s22, s5  }
0x9f: {  	[timem:s9], [sflag:s23] =	dma.local [hbm:s7], s21  }
0xa0: {  	_ =	swait.ge [sflag:s23], s21  }
0xa1: {  	s6 =	ssub.s32 $0x0, s21;
	[sflag:s23] =	ssyncset.done $0x0  }
0xa2: {  	[sflag:s23] =	ssyncadd.s32 s6;
	_ =	sdelay $0x1  }
0xa3: {  	s24 =	simm.s32 $0x1B8B  }
0xa4: {  	_ =	swait.ge [sflag:s24], $0x1  }
0xa5: {  	[sflag:s24] =	ssyncset.done $0x0  }
0xa6: {  	s25 =	simm.s32 $0x1B8E;
	[sflag:s24] =	ssyncadd.s32 $0xFFFFFFFF  }
0xa7: {  	s26 =	simm.s32 $execute0_lowered;
	[smem:$0x3FD2] =	sst s25  }
0xa8: {  	s6 =	sshll.u32 s26, $0x1;
	_ =	strace $0x80000046;
	[dreg:$0x1] =	wrdreg $0xFFFFFFFF  }
0xa9: {  	s28 =	simm.s32 $_size_execute0_lowered;
	s5 =	sadd.s32 s5, s6;
	[dreg:$0x0] =	wrdreg $0x0  }
0xaa: {  	s6 =	sshll.u32 s28, $0x1;
	[dreg:$0x2] =	wrdreg s5  }
0xab: {  	[dreg:$0x3] =	wrdreg s6  }
0xac: {  	[dreg:$0x4] =	wrdreg $0xC0  }
0xad: {  	_ =	task [dreg:s9], $0x5FFFF  }
0xae: {  	[dreg:$0x1] =	wrdreg $0xFFFFFFFF  }
0xaf: {  	[dreg:$0x0] =	wrdreg $0x60  }
0xb0: {  	[dreg:$0x2] =	wrdreg s2  }
0xb1: {  	[dreg:$0x3] =	wrdreg s19  }
0xb2: {  	[dreg:$0x4] =	wrdreg s4  }
0xb3: {  	[dreg:$0x5] =	wrdreg $0x6800  }
0xb4: {  	[dreg:$0x6] =	wrdreg $0x9  }
0xb5: {  	_ =	task.clear_ibuf [dreg:s9], $0x7FFFF;
	_ =	strace $0x90000046  }
0xb6: {  	s29 =	simm.s32 $0x9;
	_ =	strace $0x80000048  }
0xb7: {  	_ =	swait.ge [sflag:s29], $0x1  }
0xb8: {  	[sflag:s29] =	ssyncadd.s32 $0xFFFFFFFF  }
0xb9: {  	_ =	strace $0x90000048  }
0xba: {  	_ =	sfence  }
0xbb: {  	s30 =	sld [smem:$0x0];
	_ =	sdelay $0x2  }
0xbc: {  	s31 =	sshll.u32 s1, $0xD;
	s1 =	sshrl.u32 s1, $0x2  }
0xbd: {  	s3 =	sand.u32 $0x4000, s31;
	s1 =	sadd.s32 s1, s30  }
0xbe: {  	s0 =	sor.u32 s3, s0;
	s1 =	sshll.u32 s1, $0x11  }
0xbf: {  	s0 =	sor.u32 s1, s0  }
0xc0: {  	s0 =	sadd.s32 $0x8F2B, s0  }
0xc1: {  	[sflag:s0] =	ssyncadd.remote.s32 $0x1  }
0xc2: {  	_ =	sfence.sel $0xFFFF  }
0xc3: {  	[dreg:$0x0] =	wrdreg $0xFFFFFFFF;
	(pc) =	sbr.abs _section_cstart, $3  }
0xc4: {  	[dreg:$0x1] =	wrdreg $0xFFFFFFFF  }
0xc5: {  	_ =	task.clear_ibuf [dreg:s9], $0x2FFFF;
	_ =	strace $0x9FFFFFFF  }
0xc6: {  	(tm) =	ssettm $0x7FFFFFFF  }
0xc7: {  	_ =	shalt  }
tec
execute0_lowered:
.L_overlay_start_1:
0x0: {  	(tag) =	ssettag $0x1  }
0x1: {  	s3 =	rddreg [dreg:$0x0]  }
0x2: {  	s4 =	rddreg [dreg:$0x1]  }
0x3: {  	v0 =	vimm.s32 $0x3DA;
	vm0 =	vcmask $0x300;
	s6 =	rddreg [dreg:$0x2]  }
0x4: {  	s0 =	srdreg.scid;
	s1 =	rddreg [dreg:$0x3];
	v0 =	vsel vm0, $0x220, v0;
	vm0 =	vcmask $0x704  }
0x5: {  	s13 =	stileid.u32;
	s2 =	simm.s32 $0x0;
	s12 =	simm.s32 $0x580;
	v0 =	vsel vm0, $0x242, v0;
	vm0 =	vcmask $0xB08  }
0x6: {  	s14 =	simm.s32 $0x1;
	s5 =	sand.u32 $0x1, s0;
	s0 =	rddreg [dreg:$0x4];
	v0 =	vsel vm0, $0x264, v0;
	vm0 =	vcmask $0xF0C  }
0x7: {  	v3 =	vimm.s32 $0x8;
	s15 =	simm.s32 $0x0;
	[smem:$0x7FF] =	sst s2;
	s8 =	sshll.u32 s13, $0x7;
	v0 =	vsel vm0, $0x286, v0;
	vm0 =	vcmask $0x1310  }
0x8: {  	v4 =	vimm.s32 $0x9;
	s30 =	sshll.u32 s13, $0x4;
	p0 =	sne.s32 s13, $0x0;
	s7 =	sshll.u32 s5, $0x4;
	v0 =	vsel vm0, $0x2A8, v0;
	vm0 =	vcmask $0x1714  }
0x9: {  	v5 =	vimm.s32 $0x0;
	_ =	strace $0x80000047;
	s8 =	sand.u32 $0x380, s8;
	s10 =	ssub.s32 $0x2, s5;
	v0 =	vsel vm0, $0x2CA, v0;
	vm0 =	vcmask $0x1B18  }
0xa: {  	v6 =	vimm.s32 $0xF;
	s31 =	sshll.u32 s5, $0x2;
	s5 =	sadd.s32 s30, s1;
	s7 =	sor.u32 s13, s7;
	v0 =	vsel vm0, $0x2EC, v0;
	vm0 =	vcmask $0x1F1C  }
0xb: {  	vm1 =	vcmask $0x3F08;
	s11 =	sshrl.u32 s10, $0x1;
	s6 =	sadd.s32 s6, s31;
	s7 =	sshrl.u32 s7, $0x3;
	v0 =	vsel vm0, $0x30E, v0;
	vm0 =	vcmask $0x2320  }
0xc: {  	vm2 =	vmmov $0x1;
	s13 =	simm.s32 $0x600;
	s29 =	ssub.s32 s10, s11;
	s9 =	sshll.u32 s7, $0xD;
	v0 =	vsel vm0, $0x330, v0;
	vm0 =	vcmask $0x2724  }
0xd: {  	vm3 =	vcmask @!p0 $0x1F10;
	s10 =	simm.s32 $0x480;
	s7 =	sshll.u32 s7, $0xA;
	s9 =	sor.u32 s8, s9;
	v0 =	vsel vm0, $0x352, v0;
	vm0 =	vcmask $0x2B28  }
0xe: {  	s11 =	simm.s32 $0x500;
	s7 =	sor.u32 s8, s7;
	s9 =	sshrl.u32 s9, $0x3;
	v1 =	vsel vm0, $0x374, v0;
	vm0 =	vcmask $0x2F2C;
	v0 =	vlaneseq.u32  }
0xf: {  	s8 =	simm.s32 $0x80;
	s7 =	sshrl.u32 s7, $0x3;
	s3 =	sadd.s32 s3, s9;
	v2 =	vsel vm0, $0x396, v1;
	vm0 =	vcmask $0x3330;
	v1 =	vmul.u32 $0x22, v0  }
0x10: {  	s4 =	sadd.s32 s4, s7;
	s7 =	smax.u32 s29, $0x1;
	s9 =	simm.s32 $0x400;
	v7 =	vor.u32 $0x10, v0;
	v2 =	vsel vm0, $0x3B8, v2;
	vm0 =	vmmov $0x3fff  }
.LBB2_1:
0x11: {  	[tilespmem:s2], [sflag:$0x1] =	stream.strided.gather [hbm4b:s3+s8], $0x400, s9, s8, $0x38;
	[tilespmem:$0x810] =	vst v63  }
0x12: {  	_ =	swait.ge [sflag:s14], $0x400  }
0x13: {  	[sflag:s14] =	ssyncset.done $0x0  }
0x14: {  	v8 =	vadd.s32 s14, v1;
	s16 =	simm.s32 $0x0;
	[sflag:s14] =	ssyncadd.s32 $0xFFFFFC00  }
0x15: {  	v9 =	vadd.s32 s14, v2;
	[tilespmem:s9], [sflag:$0x1] =	stream.linear.gather [hbm4b:s4+s2], $0x80, $0x38;
	[tilespmem:$0x810] =	vst v63  }
0x16: {  	v10 =	vadd.s32 s16, v2;
	_ =	swait.ge [sflag:s14], $0x80  }
0x17: {  	v12 =	vadd.s32 s16, v1;
	[sflag:s14] =	ssyncset.done $0x0  }
0x18: {  	s17 =	simm.s32 $0x3;
	[sflag:s14] =	ssyncadd.s32 $0xFFFFFF80  }
0x19: {  	v11 =	vld.idx.msk [tilespmem:v8+s2+$0x0], $0xffff;
	v8 =	vadd.s32 s17, v1  }
0x1a: {  	s31 =	simm.s32 $0x2;
	v17 =	vadd.s32 s17, v2;
	v9 =	vld.idx.msk [tilespmem:v9+s2+$0x0], $0xffff  }
0x1b: {  	v19 =	vadd.s32 s31, v2;
	v13 =	vld.idx.msk [tilespmem:v10+s2+$0x0], $0xffff  }
0x1c: {  	v16 =	vadd.s32 s31, v1;
	v12 =	vld.idx.msk [tilespmem:v12+s2+$0x0], $0xffff  }
0x1d: {  	v18 =	vimm.s32 $0x0  }
0x1e: {  	v14 =	vimm.s32 $0x0;
	s16 =	simm.s32 $0x5;
	v15 =	vadd.s32 v5, v11;
	v10 =	vld.idx.msk [tilespmem:v8+s2+$0x0], $0xffff;
	v8 =	vimm.s32 $0x0  }
.LBB2_2:
0x1f: {  	v20 =	vadd.s32 s16, v1;
	v18 =	vadd.s32 v18, v9;
	v21 =	vmov v9;
	v9 =	vld.idx.msk [tilespmem:v17+s2+$0x0], $0xffff;
	p1 =	sne.s32 s16, $0x21  }
.Ltmp0:
0x20: {  	s17 =	sadd.s32 $0xFFFFFFFF, s16;
	v17 =	vadd.s32 s16, v2;
	s16 =	sadd.s32 $0x2, s16;
	v21 =	vmul.u32 v13, v21;
	v13 =	vld.idx.msk [tilespmem:v19+s2+$0x0], $0xffff;
	(pc) =	sbr.rel @p1 .LBB2_2-.Ltmp0, $4  }
0x21: {  	v19 =	vadd.s32 s17, v2;
	v22 =	vmul.u32 v12, v11;
	v12 =	vld.idx.msk [tilespmem:v16+s2+$0x0], $0xffff;
	v16 =	vadd.s32 s17, v1  }
0x22: {  	v14 =	vadd.s32 v14, v21  }
0x23: {  	v8 =	vadd.s32 v8, v22  }
0x24: {  	v15 =	vadd.s32 v15, v10;
	v11 =	vmov v10;
	v10 =	vld.idx.msk [tilespmem:v20+s2+$0x0], $0xffff  }
0x25: {  	_ =	sdelay $0x3  }
0x26: {  	v17 =	vld.idx.msk [tilespmem:v17+s2+$0x0], $0xffff  }
0x27: {  	v19 =	vld.idx.msk [tilespmem:v19+s2+$0x0], $0xffff  }
0x28: {  	v16 =	vld.idx.msk [tilespmem:v16+s2+$0x0], $0xffff  }
0x29: {  	v20 =	vld [tilespmem:$0x400];
	v18 =	vadd.s32 v18, v9;
	v9 =	vmul.u32 v13, v9  }
0x2a: {  	v11 =	vmul.u32 v12, v11  }
0x2b: {  	v9 =	vadd.s32 v14, v9;
	v13 =	vadd.s32 v15, v10;
	v15 =	vadd.s32 v18, v17  }
0x2c: {  	v18 =	vcvt.s32.f32 v13;
	v14 =	vmul.u32 v19, v17;
	v15 =	vnsel vm0, $0x0, v15  }
0x2d: {  	v10 =	vmul.u32 v16, v10;
	v12 =	vcvt.s32.f32 v15  }
0x2e: {  	v8 =	vadd.s32 v8, v11;
	[tilespmem:$0x488] =	vst v20;
	v16 =	vmax.f32 v18, $1.000000000e+00;
	v9 =	vadd.s32 v9, v14  }
0x2f: {  	v17 =	vld.idx.msk [tilespmem:v3+s10+$0x0], $0xffff;
	v8 =	vadd.s32 v8, v10;
	(erf) = vrcp.f32 v16;
	v11 =	vmax.f32 v12, $1.000000000e+00  }
0x30: {  	v14 =	vld.idx.msk [tilespmem:v4+s10+$0x0], $0xffff;
	v9 =	vnsel vm0, $0x0, v9;
	v8 =	vcvt.s32.f32 v8;
	(erf) = vrcp.f32 v11  }
0x31: {  	v9 =	vcvt.s32.f32 v9  }
0x32: {  	v16 =	vsub.f32 v18, v8  }
0x33: {  	v12 =	vsub.f32 v12, v9  }
0x34: {  	v10 =	vmul.f32 v17, v16  }
0x35: {  	v11 =	vmul.f32 v8, v14;
	v18 =	vmul.f32 v17, v12  }
0x36: {  	v19 =	vmul.f32 v9, v14  }
0x37: {  	v10 =	vadd.f32 v11, v10  }
0x38: {  	v11 =	vadd.f32 v19, v18;
	v20 =	vpop (erf)  }
0x39: {  	v10 =	vmul.f32 v10, v20;
	v18 =	vpop (erf)  }
0x3a: {  	vm4 =	vgt.s32 v13, $0x0;
	v11 =	vmul.f32 v11, v18  }
0x3b: {  	vm5 =	vgt.s32 v15, $0x0;
	v10 =	vnsel vm4, $0x0, v10  }
0x3c: {  	v13 =	vsub.f32 v17, v10;
	v15 =	vsub.f32 v14, v10;
	v11 =	vnsel vm5, $0x0, v11  }
0x3d: {  	v17 =	vsub.f32 v17, v11;
	v14 =	vsub.f32 v14, v11  }
0x3e: {  	v16 =	vmul.f32 v13, v16;
	v8 =	vmul.f32 v8, v15  }
0x3f: {  	v12 =	vmul.f32 v17, v12;
	v9 =	vmul.f32 v9, v14  }
0x40: {  	v13 =	vmul.f32 v16, v13;
	v8 =	vmul.f32 v8, v15  }
0x41: {  	v12 =	vmul.f32 v12, v17;
	v9 =	vmul.f32 v9, v14;
	_ =	sdelay $0x1  }
0x42: {  	v8 =	vadd.f32 v8, v13;
	v9 =	vadd.f32 v9, v12;
	_ =	sdelay $0x1  }
0x43: {  	v8 =	vmul.f32 v8, v20;
	v9 =	vmul.f32 v9, v18;
	_ =	sdelay $0x1  }
0x44: {  	v8 =	vnsel vm4, $0x0, v8;
	v9 =	vnsel vm5, $0x0, v9  }
0x45: {  	v8 =	vadd.f32 v9, v8;
	_ =	sdelay $0x1  }
0x46: {  	(xrf2) =	vadd.scan.msk.f32 $0xffff, v8  }
0x47: {  	v12 =	vsel vm5, $0x1, v5;
	v9 =	vsel vm4, $0x1, v5  }
0x48: {  	v8 =	vadd.s32 v9, v12  }
0x49: {  	(xrf0) =	vadd.scan.msk.s32 $0xffff, v8;
	_ =	sdelay $0x4  }
0x4a: {  	s16 =	simm.s32 $0x0  }
0x4b: {  	v21 =	vmov s16;
	v8, _, _ =	vpop (xrf0)  }
0x4c: {  	[tilespmem:$0x500] =	vst v8;
	v9, _, _ =	vpop (xrf2)  }
0x4d: {  	v8 =	vld.idx.msk [tilespmem:v6+s11+$0x0], $0xffff;
	[tilespmem:$0x580] =	vst v9  }
0x4e: {  	v9 =	vld.idx.msk [tilespmem:v6+s12+$0x0], $0xffff;
	[tilespmem:$0x480] =	vst v10  }
0x4f: {  	s26 =	simm.s32 $0x1;
	[tilespmem:$0x490] =	vst v11  }
0x50: {  	v23 =	vmov s26;
	v13 =	vld.idx.msk [tilespmem:v21+s10+$0x0], $0xffff;
	_ =	sdelay $0x1  }
0x51: {  	s28 =	simm.s32 $0x2  }
0x52: {  	v18 =	vmov s28;
	_ =	sdelay $0x1  }
0x53: {  	v16 =	vld.idx.msk [tilespmem:v23+s10+$0x0], $0xffff;
	v12 =	vsub.f32 v13, v11;
	_ =	sdelay $0x1  }
0x54: {  	vm4 =	vgt.s32 v8, v0;
	v15 =	vmul.f32 v12, v12  }
0x55: {  	v22 =	vld.idx.msk [tilespmem:v18+s10+$0x0], $0xffff;
	v14 =	vsel vm4, $0x3F800000, v5;
	vm4 =	vlt.u32 v21, v0;
	v13 =	vsub.f32 v13, v10  }
0x56: {  	vm5 =	vgt.s32 v8, v7;
	v17 =	vsel vm4, $0x3F800000, v5;
	v15 =	vsub.f32 $0.0e+00, v15  }
0x57: {  	vm4 =	vlt.u32 v23, v0;
	v19 =	vsub.f32 v16, v11;
	v13 =	vmul.f32 v13, v13  }
0x58: {  	v20 =	vmul.f32 v17, v14;
	v17 =	vsel vm4, $0x3F800000, v5;
	v15 =	vmul.f32 $1.442695020e+00, v15  }
0x59: {  	vm4 =	vlt.u32 v18, v0;
	v24 =	vmul.f32 v19, v19;
	v13 =	vsub.f32 $0.0e+00, v13  }
0x5a: {  	s29 =	simm.s32 $0x3;
	v25 =	vsub.f32 v16, v10;
	v27 =	vsub.f32 v22, v11;
	(erf) = vpow2.f32 v15  }
0x5b: {  	v19 =	vmov s29;
	v24 =	vsub.f32 $0.0e+00, v24;
	v26 =	vmul.f32 $1.442695020e+00, v13  }
0x5c: {  	v13 =	vsel vm5, $0x3F800000, v5;
	v15 =	vmul.f32 v17, v14;
	v17 =	vsel vm4, $0x3F800000, v5  }
0x5d: {  	vm4 =	vlt.u32 v19, v0;
	v16 =	vmul.f32 v17, v14;
	v17 =	vmul.f32 v25, v25  }
0x5e: {  	v24 =	vmul.f32 $1.442695020e+00, v24;
	(erf) = vpow2.f32 v26;
	v25 =	vsel vm4, $0x3F800000, v5  }
0x5f: {  	v26 =	vsub.f32 $0.0e+00, v17;
	v17 =	vmul.f32 v25, v14;
	v25 =	vmul.f32 v27, v27  }
0x60: {  	vm4 =	vlt.u32 v21, v7;
	v21 =	vsub.f32 v22, v10;
	(erf) = vpow2.f32 v24;
	v24 =	vld.idx.msk [tilespmem:v19+s10+$0x0], $0xffff  }
0x61: {  	v22 =	vsel vm4, $0x3F800000, v5;
	v26 =	vmul.f32 $1.442695020e+00, v26;
	v25 =	vsub.f32 $0.0e+00, v25  }
0x62: {  	v27 =	vmul.f32 v22, v13;
	v21 =	vmul.f32 v21, v21  }
0x63: {  	s30 =	simm.s32 $0x4;
	v12 =	vimm.f32 $0.0e+00;
	(erf) = vpow2.f32 v26;
	v25 =	vmul.f32 $1.442695020e+00, v25;
	v28 =	vpop (erf)  }
0x64: {  	v22 =	vmov s30;
	v26 =	vmul.f32 v28, v27;
	v28 =	vsub.f32 $0.0e+00, v21  }
0x65: {  	vm4 =	vlt.u32 v22, v0;
	v30 =	vsub.f32 v24, v10;
	(erf) = vpow2.f32 v25  }
0x66: {  	v27 =	vsel vm4, $0x3F800000, v5;
	vm4 =	vlt.u32 v23, v7;
	v31 =	vmul.f32 $1.442695020e+00, v28  }
0x67: {  	v21 =	vmul.f32 v27, v14;
	v27 =	vsub.f32 v24, v11;
	v23 =	vsel vm4, $0x3F800000, v5  }
0x68: {  	s31 =	simm.s32 $0x5;
	v25 =	vpop (erf);
	v24 =	vadd.f32 v26, v12;
	v29 =	vmul.f32 v23, v13;
	(erf) = vpow2.f32 v31  }
0x69: {  	s16 =	simm.s32 $0x6;
	v26 =	vld.idx.msk [tilespmem:v22+s10+$0x0], $0xffff;
	v23 =	vmov s31;
	v28 =	vmul.f32 v30, v30;
	v30 =	vpop (erf);
	v27 =	vmul.f32 v27, v27  }
.LBB2_4:
0x6a: {  	vm4 =	vlt.u32 v23, v0  }
0x6b: {  	p1 =	sne.s32 s16, $0x1D;
	v27 =	vsub.f32 $0.0e+00, v27;
	v29 =	vmul.f32 v30, v29;
	v30 =	vmovc v19;
	v19 =	vmovc v22;
	v22 =	vmov v23  }
0x6c: {  	v32 =	vmul.f32 v25, v20;
	v31 =	vsel vm4, $0x3F800000, v5;
	v28 =	vsub.f32 $0.0e+00, v28;
	v25 =	vpop (erf)  }
.Ltmp1:
0x6d: {  	v20 =	vmovc v15;
	v15 =	vmovc v16;
	v31 =	vmul.f32 v31, v14;
	v27 =	vmul.f32 $1.442695020e+00, v27;
	v24 =	vadd.f32 v29, v24;
	(pc) =	sbr.rel @p1 .LBB2_4-.Ltmp1, $4  }
0x6e: {  	v16 =	vmovc v17;
	vm4 =	vlt.u32 v18, v7;
	v33 =	vsub.f32 v26, v10;
	v29 =	vsub.f32 v26, v11  }
0x6f: {  	v17 =	vmovc v21;
	v34 =	vmul.f32 $1.442695020e+00, v28;
	v26 =	vld.idx.msk [tilespmem:v23+s10+$0x0], $0xffff;
	(erf) = vpow2.f32 v27;
	v23 =	vsel vm4, $0x3F800000, v5;
	v21 =	vmovc v31  }
0x70: {  	v18 =	vmovc v30;
	v12 =	vadd.f32 v32, v12;
	v27 =	vmul.f32 v29, v29;
	v29 =	vmul.f32 v23, v13  }
0x71: {  	v28 =	vmul.f32 v33, v33;
	v23 =	vmov s16;
	s16 =	sadd.s32 $0x1, s16;
	(erf) = vpow2.f32 v34;
	v30 =	vpop (erf)  }
0x72: {  	_ =	sdelay $0x3  }
0x73: {  	v31 =	vld.idx.msk [tilespmem:v23+s10+$0x0], $0xffff;
	_ =	sdelay $0x2  }
0x74: {  	v32 =	vsub.f32 v26, v11  }
0x75: {  	v29 =	vmul.f32 v30, v29;
	v27 =	vsub.f32 $0.0e+00, v27;
	v36 =	vsub.f32 v26, v10  }
0x76: {  	v20 =	vmul.f32 v25, v20;
	v37 =	vmul.f32 v32, v32;
	v38 =	vsub.f32 v31, v11  }
0x77: {  	v28 =	vsub.f32 $0.0e+00, v28;
	v26 =	vmul.f32 v36, v36;
	v39 =	vsub.f32 v31, v10  }
0x78: {  	v27 =	vmul.f32 $1.442695020e+00, v27;
	v30 =	vsub.f32 $0.0e+00, v37;
	v11 =	vmul.f32 v38, v38  }
0x79: {  	v28 =	vmul.f32 $1.442695020e+00, v28;
	v26 =	vsub.f32 $0.0e+00, v26;
	v10 =	vmul.f32 v39, v39  }
0x7a: {  	(erf) = vpow2.f32 v27;
	v40 =	vmul.f32 $1.442695020e+00, v30;
	v11 =	vsub.f32 $0.0e+00, v11  }
0x7b: {  	(erf) = vpow2.f32 v28;
	v26 =	vmul.f32 $1.442695020e+00, v26;
	v10 =	vsub.f32 $0.0e+00, v10  }
0x7c: {  	(erf) = vpow2.f32 v40;
	v11 =	vmul.f32 $1.442695020e+00, v11  }
0x7d: {  	vm4 =	vlt.u32 v23, v0;
	(erf) = vpow2.f32 v26;
	v10 =	vmul.f32 $1.442695020e+00, v10  }
0x7e: {  	v41 =	vsel vm4, $0x3F800000, v5;
	vm4 =	vlt.u32 v18, v7;
	(erf) = vpow2.f32 v11  }
0x7f: {  	v42 =	vmul.f32 v41, v14;
	v43 =	vsel vm4, $0x3F800000, v5;
	(erf) = vpow2.f32 v10  }
0x80: {  	v44 =	vpop (erf);
	v45 =	vadd.f32 v29, v24;
	vm4 =	vlt.u32 v19, v7;
	v14 =	vmul.f32 v43, v13  }
0x81: {  	v12 =	vadd.f32 v20, v12;
	v47 =	vsel vm4, $0x3F800000, v5;
	v46 =	vpop (erf);
	v10 =	vmul.f32 v44, v15  }
0x82: {  	vm4 =	vlt.u32 v22, v7;
	v14 =	vmul.f32 v46, v14;
	v48 =	vpop (erf);
	v15 =	vmul.f32 v47, v13  }
0x83: {  	v51 =	vsel vm4, $0x3F800000, v5;
	v50 =	vmul.f32 v48, v16;
	v49 =	vpop (erf);
	v10 =	vadd.f32 v10, v12  }
0x84: {  	v14 =	vadd.f32 v14, v45;
	v16 =	vmul.f32 v51, v13;
	v52 =	vpop (erf);
	v15 =	vmul.f32 v49, v15  }
0x85: {  	vm4 =	vlt.u32 v23, v7;
	v17 =	vmul.f32 v52, v17;
	v10 =	vadd.f32 v50, v10;
	v53 =	vpop (erf)  }
0x86: {  	v55 =	vsel vm4, $0x3F800000, v5;
	v14 =	vadd.f32 v15, v14;
	v12 =	vmul.f32 v53, v16;
	v54 =	vpop (erf)  }
0x87: {  	v56 =	vmul.f32 v55, v13;
	v10 =	vadd.f32 v17, v10;
	v15 =	vmul.f32 v54, v21;
	v57 =	vpop (erf)  }
0x88: {  	v12 =	vadd.f32 v12, v14;
	v58 =	vpop (erf)  }
0x89: {  	v13 =	vmul.f32 v57, v56;
	v10 =	vadd.f32 v15, v10;
	v11 =	vmul.f32 v58, v42;
	_ =	sdelay $0x1  }
0x8a: {  	v12 =	vadd.f32 v13, v12;
	v10 =	vadd.f32 v11, v10;
	_ =	sdelay $0x1  }
0x8b: {  	v59 =	vcvt.s32.f32 v8;
	v10 =	vadd.f32 v12, v10;
	_ =	sdelay $0x1  }
0x8c: {  	v60 =	vadd.f32 $-1.000000000e+00, v59;
	(xrf2) =	vadd.scan.msk.f32 $0xffff, v10;
	_ =	sdelay $0x1  }
0x8d: {  	v10 =	vmul.f32 v59, v60;
	_ =	sdelay $0x1  }
0x8e: {  	v10 =	vmul.f32 $5.000000000e-01, v10  }
0x8f: {  	v11 =	vmax.f32 v59, $1.000000000e+00  }
0x90: {  	(erf) = vrcp.f32 v11;
	v10 =	vmax.f32 v10, $1.000000000e+00  }
0x91: {  	(erf) = vrcp.f32 v10;
	_ =	sdelay $0x2  }
0x92: {  	v61, _, _ =	vpop (xrf2)  }
0x93: {  	[tilespmem:$0x580] =	vst v61  }
0x94: {  	v10 =	vld.idx.msk [tilespmem:v6+s12+$0x0], $0xffff;
	_ =	sdelay $0x2  }
0x95: {  	v11 =	vpop (erf)  }
0x96: {  	vm4 =	vgt.s32 v8, $0x1;
	v62 =	vpop (erf)  }
0x97: {  	v14 =	vimm.s32 @!p0 $0x91908180;
	v15 =	vimm.s32 @!p0 $0xB1B0A1A0;
	v12 =	vmul.f32 v10, v62  }
0x98: {  	v14 =	vunpack.c.0.s8.s32 @!p0 v14;
	v15 =	vunpack.c.0.s8.s32 @!p0 v15;
	v9 =	vmul.f32 v11, v9  }
0x99: {  	v13 =	vimm.s32 @!p0 $0xF1F0E1E0;
	v10 =	vsel vm4, v12, v10;
	vm4 =	vgt.s32 v8, $0x0  }
0x9a: {  	v13 =	vunpack.c.0.s8.s32 @!p0 v13;
	v8 =	vnsel vm4, $0x0, v9;
	v63 =	vmul.f32 $5.000000000e-01, v10  }
0x9b: {  	v11 =	vimm.s32 @!p0 $0x31302120;
	v12 =	vimm.s32 @!p0 $0xD1D0C1C0;
	v8 =	vsel vm1, $0x0, v8  }
0x9c: {  	v9 =	vimm.s32 @!p0 $0x51504140;
	v10 =	vimm.s32 @!p0 $0x71706160;
	v8 =	vsel vm2, v63, v8  }
0x9d: {  	[tilespmem:$0x600] =	vst v8;
	v8 =	vunpack.c.0.s8.s32 @!p0 v9;
	v9 =	vunpack.c.0.s8.s32 @!p0 v10;
	v10 =	vimm.s32 @!p0 $0x11100100  }
0x9e: {  	v11 =	vunpack.c.0.s8.s32 @!p0 v11;
	v12 =	vunpack.c.0.s8.s32 @!p0 v12;
	[spmem:s5] =	stream.linear.scatter [tilespmem:s13], [sflag:$0x1], $0x10, $0x38;
	v10 =	vunpack.c.0.s8.s32 @!p0 v10;
	[tilespmem:$0x810] =	vst v63  }
0x9f: {  	_ =	swait.ge [sflag:s14], $0x10;
	v8 =	vsel @!p0 vm3, v9, v8  }
0xa0: {  	[sflag:s14] =	ssyncset.done $0x0;
	v9 =	vsel @!p0 vm3, v11, v10;
	v10 =	vsel @!p0 vm3, v13, v12;
	v11 =	vsel @!p0 vm3, v15, v14  }
0xa1: {  	[sflag:s14] =	ssyncadd.s32 $0xFFFFFFF0;
	v8 =	vcombine.low @!p0 v9, v8;
	v9 =	vcombine.low @!p0 v11, v10  }
0xa2: {  	s16 =	simm.s32 @!p0 $0x690;
	s17 =	simm.s32 @!p0 $0x1;
	[bflag:$0x0] =	sbarrier.arrive $0xFFFF  }
0xa3: {  	[tilespmem:s16], [sflag:$0x1] =	stream.linear.gather @!p0 [spmem:s1], $0x100, $0x38;
	v9 =	vand.u32 @!p0 $0xFF, v9;
	[tilespmem:$0x810] =	vst v63  }
0xa4: {  	_ =	swait.ge @!p0 [sflag:s17], $0x100  }
0xa5: {  	[sflag:s17] =	ssyncset.done @!p0 $0x0  }
0xa6: {  	[sflag:s17] =	ssyncadd.s32 @!p0 $0xFFFFFF00  }
0xa7: {  	v8 =	vld.idx.msk @!p0 [tilespmem:v8+s16+$0x0], $0xffff  }
0xa8: {  	v9 =	vld.idx.msk @!p0 [tilespmem:v9+s16+$0x0], $0xffff;
	_ =	sdelay $0x2  }
0xa9: {  	s15 =	sadd.s32 $0x1, s15  }
0xaa: {  	p1 =	sne.s32 s15, s7;
	[tilespmem:$0x790] =	vst @!p0 v8  }
.Ltmp2:
0xab: {  	s18 =	simm.s32 @!p0 $0x790;
	s16 =	simm.s32 @!p0 $0x0;
	[tilespmem:$0x7A0] =	vst @!p0 v9;
	(pc) =	sbr.rel @p1 .LBB2_1-.Ltmp2, $4  }
0xac: {  	[hbm4b:s6+s16] =	stream.linear.scatter @!p0 [tilespmem:s18], [sflag:$0x1], $0x20, $0x38;
	[tilespmem:$0x810] =	vst v63  }
0xad: {  	_ =	swait.ge @!p0 [sflag:s17], $0x20  }
0xae: {  	[sflag:s17] =	ssyncset.done @!p0 $0x0  }
0xaf: {  	[sflag:s17] =	ssyncadd.s32 @!p0 $0xFFFFFFE0  }
0xb0: {  	_ =	sfence.sel $0x180000  }
0xb1: {  	[bflag:$0x0] =	sbarrier.arrive $0xFFFF  }
0xb2: {  	_ =	strace $0x90000047  }
0xb3: {  	s0 =	sadd.s32 @!p0 $0x100000, s0;
	[bflag:$0x2] =	sbarrier.arrive $0xFFFF  }
0xb4: {  	[sflag:s0] =	ssyncadd.tile.s32 @!p0 $0x1;
	_ =	shalt  }
.Lfunc_end2:
_tile_overlayer_lowered:
.L_overlay_start_2:
0xb5: {  	(tag) =	ssettag $0x2  }
0xb6: {  	s0 =	rddreg [dreg:$0x0];
	s2 =	stileid.u32  }
0xb7: {  	s1 =	rddreg [dreg:$0x1];
	p0 =	sne.s32 s2, $0x0  }
0xb8: {  	s3 =	rddreg [dreg:$0x2];
	[bflag:$0x3] =	sbarrier.arrive $0xFFFF;
	s2 =	simm.s32 @!p0 $0x1C01  }
0xb9: {  	[timem:s3], [sflag:s2] =	dma.local @!p0 [hbm:s0], s1  }
0xba: {  	s0 =	simm.s32 @!p0 $0x1  }
0xbb: {  	_ =	swait.ge @!p0 [sflag:s0], s1  }
0xbc: {  	s1 =	ssub.s32 @!p0 $0x0, s1;
	[sflag:s0] =	ssyncset.done @!p0 $0x0  }
0xbd: {  	[sflag:s0] =	ssyncadd.s32 @!p0 s1  }
0xbe: {  	[bflag:$0x3] =	sbarrier.arrive $0xFFFF  }
0xbf: {  	_ =	shalt  }

</sc_bundles>
